<compile_context>
chip_gen: v7x
topology: tpu7x:2x2x1
jax: 0.10.2.dev20260603
libtpu: 0.0.44.dev20260713+nightly
codegen_flags: <defaults>
</compile_context>

<pallas_src>
import functools
import math

import jax
import jax.numpy as jnp
from jax.experimental import pallas as pl
from jax.experimental.pallas import tpu as pltpu
from jax.experimental.pallas import tpu_sc as plsc

B = 1024
D = 128
N = 100000
TILE_N = 5000
TEMP = 0.05
LOG2E = math.log2(math.e)
QSCALE = LOG2E / TEMP

_info = plsc.get_sparse_core_info()
_NW = _info.num_cores * _info.num_subcores
_BPW = B // _NW


def _gather_body(f_rgb_hbm, t_rgb_hbm, f_ir_hbm, t_ir_hbm,
                 g_rgb_hbm, g_ir_hbm, idx_a, idx_b, rows_a, rows_b,
                 sem_a, sem_b):
    wid = (jax.lax.axis_index("s") * _info.num_cores
           + jax.lax.axis_index("c"))
    base = wid * _BPW
    pltpu.sync_copy(t_rgb_hbm.at[pl.ds(base, _BPW)], idx_a)
    pltpu.sync_copy(t_ir_hbm.at[pl.ds(base, _BPW)], idx_b)
    cp_a = pltpu.async_copy(f_rgb_hbm.at[idx_a], rows_a, sem_a)
    cp_b = pltpu.async_copy(f_ir_hbm.at[idx_b], rows_b, sem_b)
    cp_a.wait()
    pltpu.sync_copy(rows_a, g_rgb_hbm.at[pl.ds(base, _BPW)])
    cp_b.wait()
    pltpu.sync_copy(rows_b, g_ir_hbm.at[pl.ds(base, _BPW)])


_sc_gather = pl.kernel(
    _gather_body,
    mesh=plsc.VectorSubcoreMesh(core_axis_name="c", subcore_axis_name="s"),
    out_type=[jax.ShapeDtypeStruct((B, D), jnp.float32)] * 2,
    scratch_types=[
        pltpu.VMEM((_BPW,), jnp.int32),
        pltpu.VMEM((_BPW,), jnp.int32),
        pltpu.VMEM((_BPW, D), jnp.float32),
        pltpu.VMEM((_BPW, D), jnp.float32),
        pltpu.SemaphoreType.DMA,
        pltpu.SemaphoreType.DMA,
    ],
)


def _sums_kernel(x_rgb_ref, x_ir_ref, f_rgb_ref, f_ir_ref,
                 s_rgb_ref, s_ir_ref, xn_rgb, xn_ir):
    c = pl.program_id(0)

    @pl.when(c == 0)
    def _init():
        for x_ref, xn in ((x_rgb_ref, xn_rgb), (x_ir_ref, xn_ir)):
            x = x_ref[...]
            n = jnp.sqrt(jnp.sum(x * x, axis=1, keepdims=True))
            xn[...] = (x * (QSCALE / jnp.maximum(n, 1e-12))).astype(
                jnp.bfloat16)
        s_rgb_ref[...] = jnp.zeros_like(s_rgb_ref)
        s_ir_ref[...] = jnp.zeros_like(s_ir_ref)

    def bank(xn, f_ref, s_ref):
        q = jax.lax.dot_general(
            xn[...], f_ref[...].astype(jnp.bfloat16),
            (((1,), (1,)), ((), ())),
            preferred_element_type=jnp.float32)
        s_ref[...] += jnp.sum(jnp.exp2(q), axis=1, keepdims=True)

    bank(xn_rgb, f_rgb_ref, s_rgb_ref)
    bank(xn_ir, f_ir_ref, s_ir_ref)


def _tail_kernel(x_rgb_ref, x_ir_ref, g_rgb_ref, g_ir_ref,
                 s_rgb_ref, s_ir_ref, out_rgb_ref, out_ir_ref):
    for x_ref, g_ref, s_ref, out_ref in (
            (x_rgb_ref, g_rgb_ref, s_rgb_ref, out_rgb_ref),
            (x_ir_ref, g_ir_ref, s_ir_ref, out_ir_ref)):
        x = x_ref[...]
        n = jnp.sqrt(jnp.sum(x * x, axis=1, keepdims=True))
        inv = (1.0 / TEMP) / jnp.maximum(n, 1e-12)
        picked = jnp.sum(x * g_ref[...], axis=1, keepdims=True) * inv
        out_ref[...] = jnp.mean(jnp.log(s_ref[...]) - picked).reshape(1, 1)


@jax.jit
def _run(x_rgb, x_ir, t_rgb, t_ir, f_rgb, f_ir):
    g_rgb, g_ir = _sc_gather(f_rgb, t_rgb, f_ir, t_ir)
    s_rgb, s_ir = pl.pallas_call(
        _sums_kernel,
        grid=(N // TILE_N,),
        in_specs=[
            pl.BlockSpec((B, D), lambda c: (0, 0)),
            pl.BlockSpec((B, D), lambda c: (0, 0)),
            pl.BlockSpec((TILE_N, D), lambda c: (c, 0)),
            pl.BlockSpec((TILE_N, D), lambda c: (c, 0)),
        ],
        out_specs=[
            pl.BlockSpec((B, 1), lambda c: (0, 0)),
            pl.BlockSpec((B, 1), lambda c: (0, 0)),
        ],
        out_shape=[jax.ShapeDtypeStruct((B, 1), jnp.float32)] * 2,
        scratch_shapes=[
            pltpu.VMEM((B, D), jnp.bfloat16),
            pltpu.VMEM((B, D), jnp.bfloat16),
        ],
        compiler_params=pltpu.CompilerParams(
            dimension_semantics=("arbitrary",)),
    )(x_rgb, x_ir, f_rgb, f_ir)
    out = pl.pallas_call(
        _tail_kernel,
        out_shape=[jax.ShapeDtypeStruct((1, 1), jnp.float32)] * 2,
    )(x_rgb, x_ir, g_rgb, g_ir, s_rgb, s_ir)
    return out[0][0, 0], out[1][0, 0]


def kernel(inputs_rgb, inputs_ir, targets_rgb, targets_ir,
           features_rgb, features_ir):
    return _run(inputs_rgb, inputs_ir, targets_rgb, targets_ir,
                features_rgb, features_ir)

# --- scband reference (transcript-rebuilt; emitter-appended) ---
"""Pipeline reference for scband-cluster-memory-26560077758538 (READ-ONLY COPY).

The authoritative reference and input builder live on the scoring server;
editing this copy changes nothing except your own understanding.
"""

import jax, jax.numpy as jnp
import numpy as np

B = 1024
D = 128
NS_RGB = 100000
NS_IR = 100000
TEMP = 0.05


def _l2norm_rows(x):
    # matches torch F.normalize(x, dim=1) with eps=1e-12
    n = jnp.linalg.norm(x, axis=1, keepdims=True)
    return x / jnp.maximum(n, 1e-12)


def setup_inputs(seed: int = 0) -> dict:
    key = jax.random.key(seed)
    k1, k2, k3, k4, k5, k6 = jax.random.split(key, 6)
    inputs_rgb = jax.random.normal(k1, (B, D), dtype=jnp.float32)
    inputs_ir = jax.random.normal(k2, (B, D), dtype=jnp.float32)
    targets_rgb = jax.random.randint(k3, (B,), 0, NS_RGB, dtype=jnp.int32)
    targets_ir = jax.random.randint(k4, (B,), 0, NS_IR, dtype=jnp.int32)
    # cluster memory banks (buffers); initialized as unit-norm random prototypes
    features_rgb = _l2norm_rows(jax.random.normal(k5, (NS_RGB, D), dtype=jnp.float32))
    features_ir = _l2norm_rows(jax.random.normal(k6, (NS_IR, D), dtype=jnp.float32))
    return {
        "inputs_rgb": inputs_rgb,
        "inputs_ir": inputs_ir,
        "targets_rgb": targets_rgb,
        "targets_ir": targets_ir,
        "features_rgb": features_rgb,
        "features_ir": features_ir,
    }


def _cross_entropy(logits, targets):
    logp = jax.nn.log_softmax(logits, axis=1)
    picked = jnp.take_along_axis(logp, targets[:, None].astype(jnp.int32), axis=1)
    return -jnp.mean(picked)


def reference(inputs_rgb, inputs_ir, targets_rgb, targets_ir, features_rgb, features_ir):
    x_rgb = _l2norm_rows(inputs_rgb)
    x_ir = _l2norm_rows(inputs_ir)
    # CM.forward: similarity against the full memory banks
    outputs_rgb = x_rgb @ features_rgb.T
    outputs_ir = x_ir @ features_ir.T
    outputs_rgb = outputs_rgb / TEMP
    outputs_ir = outputs_ir / TEMP
    loss_rgb = _cross_entropy(outputs_rgb, targets_rgb)
    loss_ir = _cross_entropy(outputs_ir, targets_ir)
    return (loss_rgb, loss_ir)

if __name__ == "__main__":
    import jax
    _d = setup_inputs()
    print(jax.jit(kernel)(*tuple(_d.values())))

</pallas_src>

<mosaic_0001>
#map = affine_map<(d0, d1) -> (0, 0)>
#map1 = affine_map<(d0, d1) -> (0)>
module attributes {stable_mosaic.version = 14 : i64} {
  func.func @_gather_body(%arg0: i32, %arg1: i32, %arg2: memref<100000x128xf32, #tpu.memory_space<hbm>>, %arg3: memref<1024xi32, #tpu.memory_space<hbm>>, %arg4: memref<100000x128xf32, #tpu.memory_space<hbm>>, %arg5: memref<1024xi32, #tpu.memory_space<hbm>>, %arg6: memref<1024x128xf32, #tpu.memory_space<hbm>>, %arg7: memref<1024x128xf32, #tpu.memory_space<hbm>>, %arg8: memref<32xi32, #tpu.memory_space<vmem>>, %arg9: memref<32xi32, #tpu.memory_space<vmem>>, %arg10: memref<32x128xf32, #tpu.memory_space<vmem>>, %arg11: memref<32x128xf32, #tpu.memory_space<vmem>>, %arg12: memref<!tpu.dma_semaphore, #tpu.memory_space<semaphore_mem>>, %arg13: memref<!tpu.dma_semaphore, #tpu.memory_space<semaphore_mem>>) attributes {dimension_semantics = [#tpu.dimension_semantics<core_parallel>, #tpu.dimension_semantics<subcore_parallel>], iteration_bounds = array<i64: 2, 16>, scalar_prefetch = 0 : i64, scratch_operands = 6 : i64, tpu.core_type = #tpu.core_type<sc_vector_subcore>, window_params = [{transform_indices = #map}, {transform_indices = #map1}, {transform_indices = #map}, {transform_indices = #map1}, {transform_indices = #map}, {transform_indices = #map}]} {
    %mul3A = arith.constant 2 : i32
    %mul3A_0 = arith.muli %arg1, %mul3A : i32
    %add3A = arith.addi %mul3A_0, %arg0 : i32
    %mul3A_1 = arith.constant 32 : i32
    %mul3A_2 = arith.muli %add3A, %mul3A_1 : i32
    "tpu.region"() ({
      %run_scoped3A = tpu.sem_alloc : memref<!tpu.dma_semaphore, #tpu.memory_space<semaphore_mem>>
      %dma_start3A_13 = tpu.memref_slice %arg3[%mul3A_2] : memref<1024xi32, #tpu.memory_space<hbm>> -> memref<32xi32, #tpu.memory_space<hbm>>
      %dma_start3A_14 = tpu.memref_slice %arg3[%mul3A_2] : memref<1024xi32, #tpu.memory_space<hbm>> -> memref<32xi32, #tpu.memory_space<hbm>>
      tpu.enqueue_dma source(%dma_start3A_14 : memref<32xi32, #tpu.memory_space<hbm>>) target(%arg8 : memref<32xi32, #tpu.memory_space<vmem>>) target_semaphore(%run_scoped3A : memref<!tpu.dma_semaphore, #tpu.memory_space<semaphore_mem>>)
      %dma_wait3A_15 = tpu.memref_slice %arg3[%mul3A_2] : memref<1024xi32, #tpu.memory_space<hbm>> -> memref<32xi32, #tpu.memory_space<hbm>>
      %dma_wait3A_16 = tpu.memref_slice %arg3[%mul3A_2] : memref<1024xi32, #tpu.memory_space<hbm>> -> memref<32xi32, #tpu.memory_space<hbm>>
      tpu.wait_dma2 semaphore(%run_scoped3A : memref<!tpu.dma_semaphore, #tpu.memory_space<semaphore_mem>>) src(%dma_wait3A_16 : memref<32xi32, #tpu.memory_space<hbm>>) dst(%arg8 : memref<32xi32, #tpu.memory_space<vmem>>)
      tpu.yield
    }) : () -> ()
    "tpu.region"() ({
      %run_scoped3A = tpu.sem_alloc : memref<!tpu.dma_semaphore, #tpu.memory_space<semaphore_mem>>
      %dma_start3A_13 = tpu.memref_slice %arg5[%mul3A_2] : memref<1024xi32, #tpu.memory_space<hbm>> -> memref<32xi32, #tpu.memory_space<hbm>>
      %dma_start3A_14 = tpu.memref_slice %arg5[%mul3A_2] : memref<1024xi32, #tpu.memory_space<hbm>> -> memref<32xi32, #tpu.memory_space<hbm>>
      tpu.enqueue_dma source(%dma_start3A_14 : memref<32xi32, #tpu.memory_space<hbm>>) target(%arg9 : memref<32xi32, #tpu.memory_space<vmem>>) target_semaphore(%run_scoped3A : memref<!tpu.dma_semaphore, #tpu.memory_space<semaphore_mem>>)
      %dma_wait3A_15 = tpu.memref_slice %arg5[%mul3A_2] : memref<1024xi32, #tpu.memory_space<hbm>> -> memref<32xi32, #tpu.memory_space<hbm>>
      %dma_wait3A_16 = tpu.memref_slice %arg5[%mul3A_2] : memref<1024xi32, #tpu.memory_space<hbm>> -> memref<32xi32, #tpu.memory_space<hbm>>
      tpu.wait_dma2 semaphore(%run_scoped3A : memref<!tpu.dma_semaphore, #tpu.memory_space<semaphore_mem>>) src(%dma_wait3A_16 : memref<32xi32, #tpu.memory_space<hbm>>) dst(%arg9 : memref<32xi32, #tpu.memory_space<vmem>>)
      tpu.yield
    }) : () -> ()
    %dma_start3A = arith.constant 0 : i32
    %dma_start3A_3 = arith.constant 0 : i32
    %dma_start3A_4 = tpu.memref_slice %arg2[%dma_start3A, %dma_start3A_3] : memref<100000x128xf32, #tpu.memory_space<hbm>> -> memref<100000x128xf32, #tpu.memory_space<hbm>>
    tpu.enqueue_indirect_dma source(%dma_start3A_4 : memref<100000x128xf32, #tpu.memory_space<hbm>>) target(%arg10 : memref<32x128xf32, #tpu.memory_space<vmem>>) offsets(%arg8 : memref<32xi32, #tpu.memory_space<vmem>>) semaphore(%arg12 : memref<!tpu.dma_semaphore, #tpu.memory_space<semaphore_mem>>)
    %dma_start3A_5 = arith.constant 0 : i32
    %dma_start3A_6 = arith.constant 0 : i32
    %dma_start3A_7 = tpu.memref_slice %arg4[%dma_start3A_5, %dma_start3A_6] : memref<100000x128xf32, #tpu.memory_space<hbm>> -> memref<100000x128xf32, #tpu.memory_space<hbm>>
    tpu.enqueue_indirect_dma source(%dma_start3A_7 : memref<100000x128xf32, #tpu.memory_space<hbm>>) target(%arg11 : memref<32x128xf32, #tpu.memory_space<vmem>>) offsets(%arg9 : memref<32xi32, #tpu.memory_space<vmem>>) semaphore(%arg13 : memref<!tpu.dma_semaphore, #tpu.memory_space<semaphore_mem>>)
    %dma_wait3A = arith.constant 0 : i32
    %dma_wait3A_8 = arith.constant 0 : i32
    %dma_wait3A_9 = tpu.memref_slice %arg2[%dma_wait3A, %dma_wait3A_8] : memref<100000x128xf32, #tpu.memory_space<hbm>> -> memref<100000x128xf32, #tpu.memory_space<hbm>>
    tpu.wait_indirect_dma semaphore(%arg12 : memref<!tpu.dma_semaphore, #tpu.memory_space<semaphore_mem>>) src(%dma_wait3A_9 : memref<100000x128xf32, #tpu.memory_space<hbm>>) dst(%arg10 : memref<32x128xf32, #tpu.memory_space<vmem>>)
    "tpu.region"() ({
      %run_scoped3A = tpu.sem_alloc : memref<!tpu.dma_semaphore, #tpu.memory_space<semaphore_mem>>
      %dma_start3A_13 = arith.constant 0 : i32
      %dma_start3A_14 = tpu.memref_slice %arg6[%mul3A_2, %dma_start3A_13] : memref<1024x128xf32, #tpu.memory_space<hbm>> -> memref<32x128xf32, #tpu.memory_space<hbm>>
      %dma_start3A_15 = arith.constant 0 : i32
      %dma_start3A_16 = tpu.memref_slice %arg6[%mul3A_2, %dma_start3A_15] : memref<1024x128xf32, #tpu.memory_space<hbm>> -> memref<32x128xf32, #tpu.memory_space<hbm>>
      tpu.enqueue_dma source(%arg10 : memref<32x128xf32, #tpu.memory_space<vmem>>) target(%dma_start3A_16 : memref<32x128xf32, #tpu.memory_space<hbm>>) target_semaphore(%run_scoped3A : memref<!tpu.dma_semaphore, #tpu.memory_space<semaphore_mem>>)
      %dma_wait3A_17 = arith.constant 0 : i32
      %dma_wait3A_18 = tpu.memref_slice %arg6[%mul3A_2, %dma_wait3A_17] : memref<1024x128xf32, #tpu.memory_space<hbm>> -> memref<32x128xf32, #tpu.memory_space<hbm>>
      %dma_wait3A_19 = arith.constant 0 : i32
      %dma_wait3A_20 = tpu.memref_slice %arg6[%mul3A_2, %dma_wait3A_19] : memref<1024x128xf32, #tpu.memory_space<hbm>> -> memref<32x128xf32, #tpu.memory_space<hbm>>
      tpu.wait_dma2 semaphore(%run_scoped3A : memref<!tpu.dma_semaphore, #tpu.memory_space<semaphore_mem>>) src(%arg10 : memref<32x128xf32, #tpu.memory_space<vmem>>) dst(%dma_wait3A_20 : memref<32x128xf32, #tpu.memory_space<hbm>>)
      tpu.yield
    }) : () -> ()
    %dma_wait3A_10 = arith.constant 0 : i32
    %dma_wait3A_11 = arith.constant 0 : i32
    %dma_wait3A_12 = tpu.memref_slice %arg4[%dma_wait3A_10, %dma_wait3A_11] : memref<100000x128xf32, #tpu.memory_space<hbm>> -> memref<100000x128xf32, #tpu.memory_space<hbm>>
    tpu.wait_indirect_dma semaphore(%arg13 : memref<!tpu.dma_semaphore, #tpu.memory_space<semaphore_mem>>) src(%dma_wait3A_12 : memref<100000x128xf32, #tpu.memory_space<hbm>>) dst(%arg11 : memref<32x128xf32, #tpu.memory_space<vmem>>)
    "tpu.region"() ({
      %run_scoped3A = tpu.sem_alloc : memref<!tpu.dma_semaphore, #tpu.memory_space<semaphore_mem>>
      %dma_start3A_13 = arith.constant 0 : i32
      %dma_start3A_14 = tpu.memref_slice %arg7[%mul3A_2, %dma_start3A_13] : memref<1024x128xf32, #tpu.memory_space<hbm>> -> memref<32x128xf32, #tpu.memory_space<hbm>>
      %dma_start3A_15 = arith.constant 0 : i32
      %dma_start3A_16 = tpu.memref_slice %arg7[%mul3A_2, %dma_start3A_15] : memref<1024x128xf32, #tpu.memory_space<hbm>> -> memref<32x128xf32, #tpu.memory_space<hbm>>
      tpu.enqueue_dma source(%arg11 : memref<32x128xf32, #tpu.memory_space<vmem>>) target(%dma_start3A_16 : memref<32x128xf32, #tpu.memory_space<hbm>>) target_semaphore(%run_scoped3A : memref<!tpu.dma_semaphore, #tpu.memory_space<semaphore_mem>>)
      %dma_wait3A_17 = arith.constant 0 : i32
      %dma_wait3A_18 = tpu.memref_slice %arg7[%mul3A_2, %dma_wait3A_17] : memref<1024x128xf32, #tpu.memory_space<hbm>> -> memref<32x128xf32, #tpu.memory_space<hbm>>
      %dma_wait3A_19 = arith.constant 0 : i32
      %dma_wait3A_20 = tpu.memref_slice %arg7[%mul3A_2, %dma_wait3A_19] : memref<1024x128xf32, #tpu.memory_space<hbm>> -> memref<32x128xf32, #tpu.memory_space<hbm>>
      tpu.wait_dma2 semaphore(%run_scoped3A : memref<!tpu.dma_semaphore, #tpu.memory_space<semaphore_mem>>) src(%arg11 : memref<32x128xf32, #tpu.memory_space<vmem>>) dst(%dma_wait3A_20 : memref<32x128xf32, #tpu.memory_space<hbm>>)
      tpu.yield
    }) : () -> ()
    return
  }
}

module attributes {stable_mosaic.version = 14 : i64} {
  func.func @_tail_kernel(%arg0: memref<1024x128xf32, #tpu.memory_space<vmem>>, %arg1: memref<1024x128xf32, #tpu.memory_space<vmem>>, %arg2: memref<1024x128xf32, #tpu.memory_space<vmem>>, %arg3: memref<1024x128xf32, #tpu.memory_space<vmem>>, %arg4: memref<1024x1xf32, #tpu.memory_space<vmem>>, %arg5: memref<1024x1xf32, #tpu.memory_space<vmem>>, %arg6: memref<1x1xf32, #tpu.memory_space<vmem>>, %arg7: memref<1x1xf32, #tpu.memory_space<vmem>>) attributes {dimension_semantics = [], scalar_prefetch = 0 : i64, scratch_operands = 0 : i64, tpu.core_type = #tpu.core_type<tc>} {
    %get3A = arith.constant 0 : index
    %get3A_0 = arith.constant 0 : index
    %get3A_1 = vector.load %arg0[%get3A, %get3A_0] : memref<1024x128xf32, #tpu.memory_space<vmem>>, vector<1024x128xf32>
    %mul3A = arith.mulf %get3A_1, %get3A_1 : vector<1024x128xf32>
    %reduce_sum3A = arith.constant dense<0.000000e+00> : vector<1024xf32>
    %reduce_sum3A_2 = vector.multi_reduction <add>, %mul3A, %reduce_sum3A [1] : vector<1024x128xf32> to vector<1024xf32>
    %broadcast_in_dim3A = vector.shape_cast %reduce_sum3A_2 : vector<1024xf32> to vector<1024x1xf32>
    %sqrt3A = math.sqrt %broadcast_in_dim3A : vector<1024x1xf32>
    %max3A = arith.constant 9.99999996E-13 : f32
    %max3A_3 = vector.broadcast %max3A : f32 to vector<1024x1xf32>
    %max3A_4 = arith.maximumf %sqrt3A, %max3A_3 : vector<1024x1xf32>
    %div3A = arith.constant 2.000000e+01 : f32
    %div3A_5 = vector.broadcast %div3A : f32 to vector<1024x1xf32>
    %div3A_6 = arith.divf %div3A_5, %max3A_4 : vector<1024x1xf32>
    %get3A_7 = arith.constant 0 : index
    %get3A_8 = arith.constant 0 : index
    %get3A_9 = vector.load %arg2[%get3A_7, %get3A_8] : memref<1024x128xf32, #tpu.memory_space<vmem>>, vector<1024x128xf32>
    %mul3A_10 = arith.mulf %get3A_1, %get3A_9 : vector<1024x128xf32>
    %reduce_sum3A_11 = arith.constant dense<0.000000e+00> : vector<1024xf32>
    %reduce_sum3A_12 = vector.multi_reduction <add>, %mul3A_10, %reduce_sum3A_11 [1] : vector<1024x128xf32> to vector<1024xf32>
    %broadcast_in_dim3A_13 = vector.shape_cast %reduce_sum3A_12 : vector<1024xf32> to vector<1024x1xf32>
    %mul3A_14 = arith.mulf %broadcast_in_dim3A_13, %div3A_6 : vector<1024x1xf32>
    %get3A_15 = arith.constant 0 : index
    %get3A_16 = arith.constant 0 : index
    %get3A_17 = vector.load %arg4[%get3A_15, %get3A_16] : memref<1024x1xf32, #tpu.memory_space<vmem>>, vector<1024x1xf32>
    %log3A = math.log %get3A_17 : vector<1024x1xf32>
    %sub3A = arith.subf %log3A, %mul3A_14 : vector<1024x1xf32>
    %reduce_sum3A_18 = vector.shape_cast %sub3A : vector<1024x1xf32> to vector<1x1024x1xf32>
    %reduce_sum3A_19 = arith.constant dense<0.000000e+00> : vector<1xf32>
    %reduce_sum3A_20 = vector.multi_reduction <add>, %reduce_sum3A_18, %reduce_sum3A_19 [1, 2] : vector<1x1024x1xf32> to vector<1xf32>
    %reduce_sum3A_21 = vector.shape_cast %reduce_sum3A_20 : vector<1xf32> to vector<1x1x1xf32>
    %reduce_sum3A_22 = vector.extract %reduce_sum3A_21[0, 0, 0] : f32 from vector<1x1x1xf32>
    %div3A_23 = arith.constant 1.024000e+03 : f32
    %div3A_24 = arith.divf %reduce_sum3A_22, %div3A_23 : f32
    %reshape3A = vector.broadcast %div3A_24 : f32 to vector<1x1xf32>
    %swap3A = arith.constant 0 : index
    %swap3A_25 = arith.constant 0 : index
    %swap3A_26 = vector.load %arg6[%swap3A, %swap3A_25] : memref<1x1xf32, #tpu.memory_space<vmem>>, vector<1x1xf32>
    tpu.vector_store %arg6[%swap3A, %swap3A_25], %reshape3A {strides = array<i32>} : memref<1x1xf32, #tpu.memory_space<vmem>>, vector<1x1xf32>,
    %get3A_27 = arith.constant 0 : index
    %get3A_28 = arith.constant 0 : index
    %get3A_29 = vector.load %arg1[%get3A_27, %get3A_28] : memref<1024x128xf32, #tpu.memory_space<vmem>>, vector<1024x128xf32>
    %mul3A_30 = arith.mulf %get3A_29, %get3A_29 : vector<1024x128xf32>
    %reduce_sum3A_31 = arith.constant dense<0.000000e+00> : vector<1024xf32>
    %reduce_sum3A_32 = vector.multi_reduction <add>, %mul3A_30, %reduce_sum3A_31 [1] : vector<1024x128xf32> to vector<1024xf32>
    %broadcast_in_dim3A_33 = vector.shape_cast %reduce_sum3A_32 : vector<1024xf32> to vector<1024x1xf32>
    %sqrt3A_34 = math.sqrt %broadcast_in_dim3A_33 : vector<1024x1xf32>
    %max3A_35 = arith.constant 9.99999996E-13 : f32
    %max3A_36 = vector.broadcast %max3A_35 : f32 to vector<1024x1xf32>
    %max3A_37 = arith.maximumf %sqrt3A_34, %max3A_36 : vector<1024x1xf32>
    %div3A_38 = arith.constant 2.000000e+01 : f32
    %div3A_39 = vector.broadcast %div3A_38 : f32 to vector<1024x1xf32>
    %div3A_40 = arith.divf %div3A_39, %max3A_37 : vector<1024x1xf32>
    %get3A_41 = arith.constant 0 : index
    %get3A_42 = arith.constant 0 : index
    %get3A_43 = vector.load %arg3[%get3A_41, %get3A_42] : memref<1024x128xf32, #tpu.memory_space<vmem>>, vector<1024x128xf32>
    %mul3A_44 = arith.mulf %get3A_29, %get3A_43 : vector<1024x128xf32>
    %reduce_sum3A_45 = arith.constant dense<0.000000e+00> : vector<1024xf32>
    %reduce_sum3A_46 = vector.multi_reduction <add>, %mul3A_44, %reduce_sum3A_45 [1] : vector<1024x128xf32> to vector<1024xf32>
    %broadcast_in_dim3A_47 = vector.shape_cast %reduce_sum3A_46 : vector<1024xf32> to vector<1024x1xf32>
    %mul3A_48 = arith.mulf %broadcast_in_dim3A_47, %div3A_40 : vector<1024x1xf32>
    %get3A_49 = arith.constant 0 : index
    %get3A_50 = arith.constant 0 : index
    %get3A_51 = vector.load %arg5[%get3A_49, %get3A_50] : memref<1024x1xf32, #tpu.memory_space<vmem>>, vector<1024x1xf32>
    %log3A_52 = math.log %get3A_51 : vector<1024x1xf32>
    %sub3A_53 = arith.subf %log3A_52, %mul3A_48 : vector<1024x1xf32>
    %reduce_sum3A_54 = vector.shape_cast %sub3A_53 : vector<1024x1xf32> to vector<1x1024x1xf32>
    %reduce_sum3A_55 = arith.constant dense<0.000000e+00> : vector<1xf32>
    %reduce_sum3A_56 = vector.multi_reduction <add>, %reduce_sum3A_54, %reduce_sum3A_55 [1, 2] : vector<1x1024x1xf32> to vector<1xf32>
    %reduce_sum3A_57 = vector.shape_cast %reduce_sum3A_56 : vector<1xf32> to vector<1x1x1xf32>
    %reduce_sum3A_58 = vector.extract %reduce_sum3A_57[0, 0, 0] : f32 from vector<1x1x1xf32>
    %div3A_59 = arith.constant 1.024000e+03 : f32
    %div3A_60 = arith.divf %reduce_sum3A_58, %div3A_59 : f32
    %reshape3A_61 = vector.broadcast %div3A_60 : f32 to vector<1x1xf32>
    %swap3A_62 = arith.constant 0 : index
    %swap3A_63 = arith.constant 0 : index
    %swap3A_64 = vector.load %arg7[%swap3A_62, %swap3A_63] : memref<1x1xf32, #tpu.memory_space<vmem>>, vector<1x1xf32>
    tpu.vector_store %arg7[%swap3A_62, %swap3A_63], %reshape3A_61 {strides = array<i32>} : memref<1x1xf32, #tpu.memory_space<vmem>>, vector<1x1xf32>,
    return
  }
}

module attributes {stable_mosaic.version = 14 : i64} {
  func.func @_sums_kernel(%arg0: i32, %arg1: memref<1024x128xf32, #tpu.memory_space<vmem>>, %arg2: memref<1024x128xf32, #tpu.memory_space<vmem>>, %arg3: memref<5000x128xf32, #tpu.memory_space<vmem>>, %arg4: memref<5000x128xf32, #tpu.memory_space<vmem>>, %arg5: memref<1024x1xf32, #tpu.memory_space<vmem>>, %arg6: memref<1024x1xf32, #tpu.memory_space<vmem>>, %arg7: memref<1024x128xbf16, #tpu.memory_space<vmem>>, %arg8: memref<1024x128xbf16, #tpu.memory_space<vmem>>) attributes {dimension_semantics = [#tpu.dimension_semantics<arbitrary>], iteration_bounds = array<i64: 20>, scalar_prefetch = 0 : i64, scratch_operands = 2 : i64, tpu.core_type = #tpu.core_type<tc>, window_params = [{pipeline_mode = #tpu.pipeline_mode<synchronous>, transform_indices = @transform_0, window_bounds = array<i64: 1024, 128>}, {pipeline_mode = #tpu.pipeline_mode<synchronous>, transform_indices = @transform_1, window_bounds = array<i64: 1024, 128>}, {transform_indices = @transform_2, window_bounds = array<i64: 5000, 128>}, {transform_indices = @transform_3, window_bounds = array<i64: 5000, 128>}, {pipeline_mode = #tpu.pipeline_mode<synchronous>, transform_indices = @transform_4, window_bounds = array<i64: 1024, 1>}, {pipeline_mode = #tpu.pipeline_mode<synchronous>, transform_indices = @transform_5, window_bounds = array<i64: 1024, 1>}]} {
    %eq3A = arith.constant 0 : i32
    %eq3A_0 = arith.cmpi eq, %arg0, %eq3A : i32
    %convert_element_type3A = arith.extui %eq3A_0 : i1 to i32
    %cond3A = arith.constant 0 : i32
    %cond3A_1 = arith.cmpi ne, %convert_element_type3A, %cond3A : i32
    scf.if %cond3A_1 {
      %get3A_35 = arith.constant 0 : index
      %get3A_36 = arith.constant 0 : index
      %get3A_37 = vector.load %arg1[%get3A_35, %get3A_36] : memref<1024x128xf32, #tpu.memory_space<vmem>>, vector<1024x128xf32>
      %mul3A = arith.mulf %get3A_37, %get3A_37 : vector<1024x128xf32>
      %reduce_sum3A_38 = arith.constant dense<0.000000e+00> : vector<1024xf32>
      %reduce_sum3A_39 = vector.multi_reduction <add>, %mul3A, %reduce_sum3A_38 [1] : vector<1024x128xf32> to vector<1024xf32>
      %broadcast_in_dim3A_40 = vector.shape_cast %reduce_sum3A_39 : vector<1024xf32> to vector<1024x1xf32>
      %sqrt3A = math.sqrt %broadcast_in_dim3A_40 : vector<1024x1xf32>
      %max3A = arith.constant 9.99999996E-13 : f32
      %max3A_41 = vector.broadcast %max3A : f32 to vector<1024x1xf32>
      %max3A_42 = arith.maximumf %sqrt3A, %max3A_41 : vector<1024x1xf32>
      %div3A = arith.constant 2.885390e+01 : f32
      %div3A_43 = vector.broadcast %div3A : f32 to vector<1024x1xf32>
      %div3A_44 = arith.divf %div3A_43, %max3A_42 : vector<1024x1xf32>
      %mul3A_45 = vector.broadcast %div3A_44 : vector<1024x1xf32> to vector<1024x128xf32>
      %mul3A_46 = arith.mulf %get3A_37, %mul3A_45 : vector<1024x128xf32>
      %convert_element_type3A_47 = arith.truncf %mul3A_46 : vector<1024x128xf32> to vector<1024x128xbf16>
      %swap3A_48 = arith.constant 0 : index
      %swap3A_49 = arith.constant 0 : index
      %swap3A_50 = vector.load %arg7[%swap3A_48, %swap3A_49] : memref<1024x128xbf16, #tpu.memory_space<vmem>>, vector<1024x128xbf16>
      tpu.vector_store %arg7[%swap3A_48, %swap3A_49], %convert_element_type3A_47 {strides = array<i32>} : memref<1024x128xbf16, #tpu.memory_space<vmem>>, vector<1024x128xbf16>,
      %get3A_51 = arith.constant 0 : index
      %get3A_52 = arith.constant 0 : index
      %get3A_53 = vector.load %arg2[%get3A_51, %get3A_52] : memref<1024x128xf32, #tpu.memory_space<vmem>>, vector<1024x128xf32>
      %mul3A_54 = arith.mulf %get3A_53, %get3A_53 : vector<1024x128xf32>
      %reduce_sum3A_55 = arith.constant dense<0.000000e+00> : vector<1024xf32>
      %reduce_sum3A_56 = vector.multi_reduction <add>, %mul3A_54, %reduce_sum3A_55 [1] : vector<1024x128xf32> to vector<1024xf32>
      %broadcast_in_dim3A_57 = vector.shape_cast %reduce_sum3A_56 : vector<1024xf32> to vector<1024x1xf32>
      %sqrt3A_58 = math.sqrt %broadcast_in_dim3A_57 : vector<1024x1xf32>
      %max3A_59 = arith.constant 9.99999996E-13 : f32
      %max3A_60 = vector.broadcast %max3A_59 : f32 to vector<1024x1xf32>
      %max3A_61 = arith.maximumf %sqrt3A_58, %max3A_60 : vector<1024x1xf32>
      %div3A_62 = arith.constant 2.885390e+01 : f32
      %div3A_63 = vector.broadcast %div3A_62 : f32 to vector<1024x1xf32>
      %div3A_64 = arith.divf %div3A_63, %max3A_61 : vector<1024x1xf32>
      %mul3A_65 = vector.broadcast %div3A_64 : vector<1024x1xf32> to vector<1024x128xf32>
      %mul3A_66 = arith.mulf %get3A_53, %mul3A_65 : vector<1024x128xf32>
      %convert_element_type3A_67 = arith.truncf %mul3A_66 : vector<1024x128xf32> to vector<1024x128xbf16>
      %swap3A_68 = arith.constant 0 : index
      %swap3A_69 = arith.constant 0 : index
      %swap3A_70 = vector.load %arg8[%swap3A_68, %swap3A_69] : memref<1024x128xbf16, #tpu.memory_space<vmem>>, vector<1024x128xbf16>
      tpu.vector_store %arg8[%swap3A_68, %swap3A_69], %convert_element_type3A_67 {strides = array<i32>} : memref<1024x128xbf16, #tpu.memory_space<vmem>>, vector<1024x128xbf16>,
      %broadcast_in_dim3A_71 = arith.constant 0.000000e+00 : f32
      %broadcast_in_dim3A_72 = vector.broadcast %broadcast_in_dim3A_71 : f32 to vector<1024x1xf32>
      %swap3A_73 = arith.constant 0 : index
      %swap3A_74 = arith.constant 0 : index
      %swap3A_75 = vector.load %arg5[%swap3A_73, %swap3A_74] : memref<1024x1xf32, #tpu.memory_space<vmem>>, vector<1024x1xf32>
      tpu.vector_store %arg5[%swap3A_73, %swap3A_74], %broadcast_in_dim3A_72 {strides = array<i32>} : memref<1024x1xf32, #tpu.memory_space<vmem>>, vector<1024x1xf32>,
      %broadcast_in_dim3A_76 = arith.constant 0.000000e+00 : f32
      %broadcast_in_dim3A_77 = vector.broadcast %broadcast_in_dim3A_76 : f32 to vector<1024x1xf32>
      %swap3A_78 = arith.constant 0 : index
      %swap3A_79 = arith.constant 0 : index
      %swap3A_80 = vector.load %arg6[%swap3A_78, %swap3A_79] : memref<1024x1xf32, #tpu.memory_space<vmem>>, vector<1024x1xf32>
      tpu.vector_store %arg6[%swap3A_78, %swap3A_79], %broadcast_in_dim3A_77 {strides = array<i32>} : memref<1024x1xf32, #tpu.memory_space<vmem>>, vector<1024x1xf32>,
    } else {
    }
    %get3A = arith.constant 0 : index
    %get3A_2 = arith.constant 0 : index
    %get3A_3 = vector.load %arg7[%get3A, %get3A_2] : memref<1024x128xbf16, #tpu.memory_space<vmem>>, vector<1024x128xbf16>
    %get3A_4 = arith.constant 0 : index
    %get3A_5 = arith.constant 0 : index
    %get3A_6 = vector.load %arg3[%get3A_4, %get3A_5] : memref<5000x128xf32, #tpu.memory_space<vmem>>, vector<5000x128xf32>
    %convert_element_type3A_7 = arith.truncf %get3A_6 : vector<5000x128xf32> to vector<5000x128xbf16>
    %dot_general3A = arith.constant dense<0.000000e+00> : vector<1024x5000xf32>
    %dot_general3A_8 = tpu.matmul %get3A_3, %convert_element_type3A_7, %dot_general3A {dimension_numbers = #tpu.dot_dimension_numbers<[1], [1], [0], [0], [0, 0, 1, 0], [], []>, transpose_lhs_hint = false} : vector<1024x128xbf16>, vector<5000x128xbf16>, vector<1024x5000xf32> -> vector<1024x5000xf32>
    %get3A_9 = arith.constant 0 : index
    %get3A_10 = arith.constant 0 : index
    %get3A_11 = vector.load %arg5[%get3A_9, %get3A_10] : memref<1024x1xf32, #tpu.memory_space<vmem>>, vector<1024x1xf32>
    %exp23A = math.exp2 %dot_general3A_8 : vector<1024x5000xf32>
    %reduce_sum3A = arith.constant dense<0.000000e+00> : vector<1024xf32>
    %reduce_sum3A_12 = vector.multi_reduction <add>, %exp23A, %reduce_sum3A [1] : vector<1024x5000xf32> to vector<1024xf32>
    %broadcast_in_dim3A = vector.shape_cast %reduce_sum3A_12 : vector<1024xf32> to vector<1024x1xf32>
    %add3A = arith.addf %get3A_11, %broadcast_in_dim3A : vector<1024x1xf32>
    %swap3A = arith.constant 0 : index
    %swap3A_13 = arith.constant 0 : index
    %swap3A_14 = vector.load %arg5[%swap3A, %swap3A_13] : memref<1024x1xf32, #tpu.memory_space<vmem>>, vector<1024x1xf32>
    tpu.vector_store %arg5[%swap3A, %swap3A_13], %add3A {strides = array<i32>} : memref<1024x1xf32, #tpu.memory_space<vmem>>, vector<1024x1xf32>,
    %get3A_15 = arith.constant 0 : index
    %get3A_16 = arith.constant 0 : index
    %get3A_17 = vector.load %arg8[%get3A_15, %get3A_16] : memref<1024x128xbf16, #tpu.memory_space<vmem>>, vector<1024x128xbf16>
    %get3A_18 = arith.constant 0 : index
    %get3A_19 = arith.constant 0 : index
    %get3A_20 = vector.load %arg4[%get3A_18, %get3A_19] : memref<5000x128xf32, #tpu.memory_space<vmem>>, vector<5000x128xf32>
    %convert_element_type3A_21 = arith.truncf %get3A_20 : vector<5000x128xf32> to vector<5000x128xbf16>
    %dot_general3A_22 = arith.constant dense<0.000000e+00> : vector<1024x5000xf32>
    %dot_general3A_23 = tpu.matmul %get3A_17, %convert_element_type3A_21, %dot_general3A_22 {dimension_numbers = #tpu.dot_dimension_numbers<[1], [1], [0], [0], [0, 0, 1, 0], [], []>, transpose_lhs_hint = false} : vector<1024x128xbf16>, vector<5000x128xbf16>, vector<1024x5000xf32> -> vector<1024x5000xf32>
    %get3A_24 = arith.constant 0 : index
    %get3A_25 = arith.constant 0 : index
    %get3A_26 = vector.load %arg6[%get3A_24, %get3A_25] : memref<1024x1xf32, #tpu.memory_space<vmem>>, vector<1024x1xf32>
    %exp23A_27 = math.exp2 %dot_general3A_23 : vector<1024x5000xf32>
    %reduce_sum3A_28 = arith.constant dense<0.000000e+00> : vector<1024xf32>
    %reduce_sum3A_29 = vector.multi_reduction <add>, %exp23A_27, %reduce_sum3A_28 [1] : vector<1024x5000xf32> to vector<1024xf32>
    %broadcast_in_dim3A_30 = vector.shape_cast %reduce_sum3A_29 : vector<1024xf32> to vector<1024x1xf32>
    %add3A_31 = arith.addf %get3A_26, %broadcast_in_dim3A_30 : vector<1024x1xf32>
    %swap3A_32 = arith.constant 0 : index
    %swap3A_33 = arith.constant 0 : index
    %swap3A_34 = vector.load %arg6[%swap3A_32, %swap3A_33] : memref<1024x1xf32, #tpu.memory_space<vmem>>, vector<1024x1xf32>
    tpu.vector_store %arg6[%swap3A_32, %swap3A_33], %add3A_31 {strides = array<i32>} : memref<1024x1xf32, #tpu.memory_space<vmem>>, vector<1024x1xf32>,
    return
  }
  func.func @transform_0(%arg0: i32) -> (i32, i32) {
    %c0_i32 = arith.constant 0 : i32
    %c0_i32_0 = arith.constant 0 : i32
    %c0_i32_1 = arith.constant 0 : i32
    return %c0_i32, %c0_i32_0 : i32, i32
  }
  func.func @transform_1(%arg0: i32) -> (i32, i32) {
    %c0_i32 = arith.constant 0 : i32
    %c0_i32_0 = arith.constant 0 : i32
    %c0_i32_1 = arith.constant 0 : i32
    return %c0_i32, %c0_i32_0 : i32, i32
  }
  func.func @transform_2(%arg0: i32) -> (i32, i32) {
    %c0_i32 = arith.constant 0 : i32
    %c0_i32_0 = arith.constant 0 : i32
    return %arg0, %c0_i32 : i32, i32
  }
  func.func @transform_3(%arg0: i32) -> (i32, i32) {
    %c0_i32 = arith.constant 0 : i32
    %c0_i32_0 = arith.constant 0 : i32
    return %arg0, %c0_i32 : i32, i32
  }
  func.func @transform_4(%arg0: i32) -> (i32, i32) {
    %c0_i32 = arith.constant 0 : i32
    %c0_i32_0 = arith.constant 0 : i32
    %c0_i32_1 = arith.constant 0 : i32
    return %c0_i32, %c0_i32_0 : i32, i32
  }
  func.func @transform_5(%arg0: i32) -> (i32, i32) {
    %c0_i32 = arith.constant 0 : i32
    %c0_i32_0 = arith.constant 0 : i32
    %c0_i32_1 = arith.constant 0 : i32
    return %c0_i32, %c0_i32_0 : i32, i32
  }
}

</mosaic_0001>

<sc_bundles>
// kernel: _run.5.cloned.1.call-start
scs
__scs_entry_jumppad:
0x0: {  	(pc) =	sbr.rel $0x88, $3  }
0x1: {  	(tag) =	ssettag $0x0;
	lr =	simm.s32 $0x1  }
0x2: {  	[smem:$0x3F9B] =	sst lr;
	_ =	strace $0xD0000000  }
0x3: {  	_ = 	snop  }
0x4: {  	_ = 	snop  }
0x5: {  	_ = 	snop  }
0x6: {  	_ = 	snop  }
0x7: {  	_ = 	snop  }
__scs_overlays_trampoline_lowered:
0x8: {  	[smem:$0x3FAA] =	sst s0  }
0x9: {  	[smem:$0x3FAB] =	sst s1  }
0xa: {  	[smem:$0x3FAC] =	sst s2  }
0xb: {  	[smem:$0x3FAD] =	sst s3  }
0xc: {  	[smem:$0x3FAE] =	sst s4  }
0xd: {  	[smem:$0x3FAF] =	sst s5  }
0xe: {  	[smem:$0x3FB0] =	sst s6  }
0xf: {  	[smem:$0x3FB1] =	sst s7  }
0x10: {  	[smem:$0x3FB2] =	sst s8  }
0x11: {  	[smem:$0x3FB3] =	sst s9;
	s0 =	simm.s32 @!p0 $0x0  }
0x12: {  	s1 =	sld [smem:$0x3F99];
	s0 =	simm.s32 @p0 $0x1  }
0x13: {  	[smem:$0x3FB4] =	sst s0;
	s0 =	simm.s32 @!p1 $0x0  }
0x14: {  	s2 =	sld [smem:$0x3F98];
	s0 =	simm.s32 @p1 $0x1  }
0x15: {  	[smem:$0x3FB5] =	sst s0;
	s0 =	simm.s32 @!p2 $0x0  }
0x16: {  	s3 =	sld [smem:$0x3FDB];
	s0 =	simm.s32 @p2 $0x1  }
0x17: {  	s4 =	simm.s32 $0x1BF5;
	[smem:$0x3FB7] =	sst s0  }
0x18: {  	s0 =	sld [smem:$0x3F9A];
	_ =	swait.ge [sflag:s4], $0x0  }
0x19: {  	s7 =	sld [smem:$0x3F9B]  }
0x1a: {  	s8 =	sadd.s32 $0xFFFFE003, lr  }
0x1b: {  	s9 =	sadd.s32 $0xFFFFFEF7, lr;
	s5 =	simm.s32 $0xFFFFFFFF;
	p2 =	slt.u32 s8, $0xFFFFF086  }
0x1c: {  	p1 =	slt.u32 s9, $0xF7A;
	s5 =	simm.s32 @!p2 $0x0  }
0x1d: {  	s5 =	simm.s32 @p1 $0x1;
	p0 =	seq.s32 s7, s2  }
0x1e: {  	s7 =	smul.u32 @!p0 $0xF7A, s2;
	p2 =	seq.s32 @!p0 s5, $0x0  }
0x1f: {  	s9 =	smul.u32 $0xF7A, s1;
	s8 =	simm.s32 @!p0 $0x1BF5;
	p2 =	por !p2, p0  }
0x20: {  	[sflag:s8] =	ssyncset.s32 @!p0 $0xFFFFF086;
	s6 =	sadd.s32 @!p0 s3, s7;
	s7 =	simm.s32 @!p0 $0x108  }
0x21: {  	s3 =	sadd.s32 s3, s9;
	s6 =	sadd.s32 @!p0 $0x88, s6;
	s7 =	simm.s32 @p2 $0x1082  }
0x22: {  	[simem:s7], [sflag:s8] =	dma.local @!p0 [hbm:s6], $0xF7A  }
0x23: {  	s9 =	sor.u32 $0xD0000000, s2;
	s6 =	simm.s32 $0x108;
	_ =	swait.ge @!p0 [sflag:s8], $0x0  }
0x24: {  	s3 =	sadd.s32 $0x88, s3;
	s6 =	simm.s32 @!p1 $0x1082;
	[sflag:s4] =	ssyncset.s32 $0xFFFFF086  }
0x25: {  	[simem:s6], [sflag:s4] =	dma.local [hbm:s3], $0xF7A  }
0x26: {  	[smem:$0x3F9B] =	sst s1;
	(tag) =	ssettag s2;
	_ =	strace s9  }
0x27: {  	s1 =	sld [smem:$0x3FAB]  }
0x28: {  	s2 =	sld [smem:$0x3FAC]  }
0x29: {  	s4 =	sld [smem:$0x3FAE]  }
0x2a: {  	p0 =	seq.s32 s5, $0x0;
	s5 =	sld [smem:$0x3FAF]  }
0x2b: {  	s6 =	sld [smem:$0x3FB0]  }
0x2c: {  	s7 =	sld [smem:$0x3FB1]  }
0x2d: {  	s3 =	simm.s32 $0x108;
	s8 =	sld [smem:$0x3FB2]  }
0x2e: {  	s3 =	simm.s32 @!p0 $0x1082;
	s9 =	sld [smem:$0x3FB3]  }
0x2f: {  	lr =	sadd.s32 s0, s3;
	s0 =	sld [smem:$0x3FAA]  }
0x30: {  	s3 =	sld [smem:$0x3FAD]  }
0x31: {  	[smem:$0x3FB6] =	sst s10  }
0x32: {  	s10 =	sld [smem:$0x3FB4];
	_ =	sdelay $0x3  }
0x33: {  	p0 =	seq.s32 s10, $0x1;
	s10 =	sld [smem:$0x3FB6];
	_ =	sdelay $0x3  }
0x34: {  	[smem:$0x3FB6] =	sst s10  }
0x35: {  	s10 =	sld [smem:$0x3FB5];
	_ =	sdelay $0x3  }
0x36: {  	p1 =	seq.s32 s10, $0x1;
	s10 =	sld [smem:$0x3FB6];
	_ =	sdelay $0x3  }
0x37: {  	[smem:$0x3FB6] =	sst s10  }
0x38: {  	s10 =	sld [smem:$0x3FB7]  }
0x39: {  	_ = 	snop;
	(pc) =	sbr.ind lr, $3  }
0x3a: {  	_ = 	snop  }
0x3b: {  	_ = 	snop  }
0x3c: {  	p2 =	seq.s32 s10, $0x1;
	s10 =	sld [smem:$0x3FB6]  }
0x3d: {  	_ =	shalt  }
0x3e: {  	_ =	shalt  }
0x3f: {  	_ =	shalt  }
0x40: {  	_ =	shalt  }
0x41: {  	_ =	shalt  }
0x42: {  	_ =	shalt  }
0x43: {  	_ =	shalt  }
0x44: {  	_ =	shalt  }
0x45: {  	_ =	shalt  }
0x46: {  	_ =	shalt  }
0x47: {  	_ =	shalt  }
0x48: {  	_ =	shalt  }
0x49: {  	_ =	shalt  }
0x4a: {  	_ =	shalt  }
0x4b: {  	_ =	shalt  }
0x4c: {  	_ =	shalt  }
0x4d: {  	_ =	shalt  }
0x4e: {  	_ =	shalt  }
0x4f: {  	_ =	shalt  }
0x50: {  	_ =	shalt  }
0x51: {  	_ =	shalt  }
0x52: {  	_ =	shalt  }
0x53: {  	_ =	shalt  }
0x54: {  	_ =	shalt  }
0x55: {  	_ =	shalt  }
0x56: {  	_ =	shalt  }
0x57: {  	_ =	shalt  }
0x58: {  	_ =	shalt  }
0x59: {  	_ =	shalt  }
0x5a: {  	_ =	shalt  }
0x5b: {  	_ =	shalt  }
0x5c: {  	_ =	shalt  }
0x5d: {  	_ =	shalt  }
0x5e: {  	_ =	shalt  }
0x5f: {  	_ =	shalt  }
0x60: {  	_ =	shalt  }
0x61: {  	_ =	shalt  }
0x62: {  	_ =	shalt  }
0x63: {  	_ =	shalt  }
0x64: {  	_ =	shalt  }
0x65: {  	_ =	shalt  }
0x66: {  	_ =	shalt  }
0x67: {  	_ =	shalt  }
0x68: {  	_ =	shalt  }
0x69: {  	_ =	shalt  }
0x6a: {  	_ =	shalt  }
0x6b: {  	_ =	shalt  }
0x6c: {  	_ =	shalt  }
0x6d: {  	_ =	shalt  }
0x6e: {  	_ =	shalt  }
0x6f: {  	_ =	shalt  }
0x70: {  	_ =	shalt  }
0x71: {  	_ =	shalt  }
0x72: {  	_ =	shalt  }
0x73: {  	_ =	shalt  }
0x74: {  	_ =	shalt  }
0x75: {  	_ =	shalt  }
0x76: {  	_ =	shalt  }
0x77: {  	_ =	shalt  }
0x78: {  	_ =	shalt  }
0x79: {  	_ =	shalt  }
0x7a: {  	_ =	shalt  }
0x7b: {  	_ =	shalt  }
0x7c: {  	_ =	shalt  }
0x7d: {  	_ =	shalt  }
0x7e: {  	_ =	shalt  }
0x7f: {  	_ =	shalt  }
0x80: {  	_ =	shalt  }
0x81: {  	_ =	shalt  }
0x82: {  	_ =	shalt  }
0x83: {  	_ =	shalt  }
0x84: {  	_ =	shalt  }
0x85: {  	_ =	shalt  }
0x86: {  	_ =	shalt  }
0x87: {  	_ =	shalt  }
.Lfunc_end0:
.L_simem_size_0:
called_computation_lowered:
.L_overlay_start_0:
0x88: {  	s2 =	sld [smem:$0x3FD9]  }
0x89: {  	s3 =	sld [smem:$0x3FFE];
	_ =	sdelay $0x1  }
0x8a: {  	s1 =	srdreg.scid  }
0x8b: {  	s0 =	sand.u32 $0x1, s1  }
0x8c: {  	s17 =	sshll.u32 s0, $0xA;
	s2 =	sadd.s32 s3, s2  }
0x8d: {  	s2 =	sadd.s32 s2, s17  }
0x8e: {  	[smem:$0x3FC2] =	sst s2  }
0x8f: {  	_ = 	snop  }
0x90: {  	s2 =	sld [smem:$0x3FC7]  }
0x91: {  	s18 =	sld [smem:$0x3FC6]  }
0x92: {  	s4 =	sld [smem:$0x3FC5]  }
0x93: {  	s5 =	sld [smem:$0x3FC4];
	(tm) =	ssettm $0x1  }
0x94: {  	s6 =	sld [smem:$0x3FFB];
	_ =	sdelay $0x3  }
0x95: {  	_ =	strace s6  }
0x96: {  	s6 =	sld [smem:$0x3FFC];
	_ =	sdelay $0x3  }
0x97: {  	_ =	strace s6  }
0x98: {  	s6 =	sld [smem:$0x3FFD];
	_ =	sdelay $0x3  }
0x99: {  	_ =	strace s6  }
0x9a: {  	_ =	strace $0x8FFFFFFF  }
0x9b: {  	s19 =	sld [smem:$0x3FDB];
	_ =	sdelay $0x1  }
0x9c: {  	s7 =	simm.s32 $_scs_section_size  }
0x9d: {  	s8 =	simm.s32 $_size__tile_overlayer_lowered;
	s9 =	simm.s32 $_tile_overlayer_lowered  }
0x9e: {  	s22 =	simm.s32 $0x1BFF;
	s21 =	sshll.u32 s9, $0x1;
	s6 =	sadd.s32 s7, s19  }
0x9f: {  	s10 =	simm.s32 $0x0;
	s20 =	sshll.u32 s8, $0x1;
	s8 =	sadd.s32 s21, s6  }
0xa0: {  	[timem:s10], [sflag:s22] =	dma.local [hbm:s8], s20  }
0xa1: {  	_ =	swait.ge [sflag:s22], s20  }
0xa2: {  	s7 =	ssub.s32 $0x0, s20;
	[sflag:s22] =	ssyncset.done $0x0  }
0xa3: {  	[sflag:s22] =	ssyncadd.s32 s7;
	_ =	sdelay $0x1  }
0xa4: {  	s23 =	simm.s32 $0x1B8B  }
0xa5: {  	_ =	swait.ge [sflag:s23], $0x1  }
0xa6: {  	[sflag:s23] =	ssyncset.done $0x0  }
0xa7: {  	s25 =	simm.s32 $0x1B8E;
	s24 =	sld [smem:$0x3FFE];
	[sflag:s23] =	ssyncadd.s32 $0xFFFFFFFF  }
0xa8: {  	s26 =	simm.s32 $execute0_lowered;
	[smem:$0x3FD2] =	sst s25  }
0xa9: {  	s8 =	sshll.u32 s26, $0x1;
	_ =	strace $0x80000046;
	[dreg:$0x1] =	wrdreg $0xFFFFFFFF  }
0xaa: {  	s28 =	simm.s32 $_size_execute0_lowered;
	s6 =	sadd.s32 s6, s8;
	[dreg:$0x0] =	wrdreg $0x0  }
0xab: {  	s8 =	sshll.u32 s28, $0x1;
	[dreg:$0x2] =	wrdreg s6  }
0xac: {  	[dreg:$0x3] =	wrdreg s8  }
0xad: {  	[dreg:$0x4] =	wrdreg $0xC0  }
0xae: {  	_ =	task [dreg:s10], $0x5FFFF  }
0xaf: {  	[dreg:$0x1] =	wrdreg $0xFFFFFFFF  }
0xb0: {  	[dreg:$0x0] =	wrdreg $0x60  }
0xb1: {  	[dreg:$0x2] =	wrdreg s4  }
0xb2: {  	[dreg:$0x3] =	wrdreg s2  }
0xb3: {  	[dreg:$0x4] =	wrdreg s5  }
0xb4: {  	[dreg:$0x5] =	wrdreg s18  }
0xb5: {  	[dreg:$0x6] =	wrdreg s24  }
0xb6: {  	[dreg:$0x7] =	wrdreg $0x9  }
0xb7: {  	_ =	task.clear_ibuf [dreg:s10], $0x8FFFF;
	_ =	strace $0x90000046  }
0xb8: {  	s29 =	simm.s32 $0x9;
	_ =	strace $0x80000048  }
0xb9: {  	_ =	swait.ge [sflag:s29], $0x1  }
0xba: {  	[sflag:s29] =	ssyncadd.s32 $0xFFFFFFFF  }
0xbb: {  	_ =	strace $0x90000048  }
0xbc: {  	_ =	sfence  }
0xbd: {  	s30 =	sld [smem:$0x0];
	_ =	sdelay $0x2  }
0xbe: {  	s31 =	sshll.u32 s1, $0xD;
	s1 =	sshrl.u32 s1, $0x2  }
0xbf: {  	s3 =	sand.u32 $0x4000, s31;
	s1 =	sadd.s32 s1, s30  }
0xc0: {  	s0 =	sor.u32 s3, s0;
	s1 =	sshll.u32 s1, $0x11  }
0xc1: {  	s0 =	sor.u32 s1, s0  }
0xc2: {  	s0 =	sadd.s32 $0x8F2B, s0  }
0xc3: {  	[sflag:s0] =	ssyncadd.remote.s32 $0x1  }
0xc4: {  	_ =	sfence.sel $0xFFFF  }
0xc5: {  	[dreg:$0x0] =	wrdreg $0xFFFFFFFF;
	(pc) =	sbr.abs _section_cstart, $3  }
0xc6: {  	[dreg:$0x1] =	wrdreg $0xFFFFFFFF  }
0xc7: {  	_ =	task.clear_ibuf [dreg:s10], $0x2FFFF;
	_ =	strace $0x9FFFFFFF  }
0xc8: {  	(tm) =	ssettm $0x7FFFFFFF  }
0xc9: {  	_ =	shalt  }
tec
execute0_lowered:
.L_overlay_start_1:
0x0: {  	(tag) =	ssettag $0x1  }
0x1: {  	s1 =	rddreg [dreg:$0x0]  }
0x2: {  	s5 =	rddreg [dreg:$0x1]  }
0x3: {  	s2 =	rddreg [dreg:$0x2];
	s3 =	srdreg.scid  }
0x4: {  	s7 =	rddreg [dreg:$0x3];
	s0 =	stileid.u32;
	s14 =	sand.u32 $0x1, s3  }
0x5: {  	s13 =	rddreg [dreg:$0x4];
	s6 =	sshll.u32 s0, $0x6;
	s8 =	sshll.u32 s14, $0x5  }
0x6: {  	s4 =	simm.s32 $0x0;
	s3 =	rddreg [dreg:$0x5];
	s15 =	sor.u32 s8, s6  }
0x7: {  	[smem:$0x7FF] =	sst s4;
	s8 =	sshrl.u32 s15, $0x3  }
0x8: {  	_ =	strace $0x80000047;
	s6 =	sadd.s32 s5, s8;
	s5 =	simm.s32 $0x3  }
0x9: {  	[tilespmem:s4], [sflag:$0x3] =	stream.linear.gather [hbm4b:s6+s4], $0x20, $0x38;
	[tilespmem:$0x2100] =	vst v63  }
0xa: {  	_ =	swait.ge [sflag:s5], $0x20  }
0xb: {  	[sflag:s5] =	ssyncset.done $0x0  }
0xc: {  	s7 =	sadd.s32 s7, s8;
	s8 =	simm.s32 $0x80;
	[sflag:s5] =	ssyncadd.s32 $0xFFFFFFE0  }
0xd: {  	[tilespmem:s8], [sflag:$0x3] =	stream.linear.gather [hbm4b:s7+s4], $0x20, $0x38;
	[tilespmem:$0x2100] =	vst v63  }
0xe: {  	_ =	swait.ge [sflag:s5], $0x20  }
0xf: {  	[sflag:s5] =	ssyncset.done $0x0  }
0x10: {  	s9 =	simm.s32 $0x20;
	s10 =	simm.s32 $0x100;
	[sflag:s5] =	ssyncadd.s32 $0xFFFFFFE0  }
0x11: {  	[tilespmem:s10], [sflag:$0x1] =	stream.indirect.gather [hbm4b:s1+s9], $0x80, s4, s9, $0xb8;
	[tilespmem:$0x2100] =	vst v63  }
0x12: {  	s11 =	simm.s32 $0x1100;
	s12 =	simm.s32 $0x1  }
0x13: {  	[tilespmem:s11], [sflag:$0x2] =	stream.indirect.gather [hbm4b:s2+s9], $0x80, s8, s9, $0xb8;
	[tilespmem:$0x2100] =	vst v63  }
0x14: {  	s15 =	sshll.u32 s15, $0x4;
	_ =	swait.ge [sflag:s12], $0x1000  }
0x15: {  	s15 =	sadd.s32 s15, s13;
	[sflag:s12] =	ssyncset.done $0x0  }
0x16: {  	s16 =	ssub.s32 $0x2, s14;
	s13 =	sadd.s32 $0x1400, s15;
	[sflag:s12] =	ssyncadd.s32 $0xFFFFF000  }
0x17: {  	[hbm4b:s13+s4] =	stream.linear.scatter [tilespmem:s10], [sflag:$0x3], $0x1000, $0x38;
	[tilespmem:$0x2100] =	vst v63  }
0x18: {  	s17 =	sshrl.u32 s16, $0x1;
	_ =	swait.ge [sflag:s5], $0x1000  }
0x19: {  	s16 =	ssub.s32 s16, s17;
	[sflag:s5] =	ssyncset.done $0x0  }
0x1a: {  	s14 =	simm.s32 $0x2;
	s16 =	smax.u32 s16, $0x1;
	[sflag:s5] =	ssyncadd.s32 $0xFFFFF000  }
0x1b: {  	p0 =	sne.s32 s16, $0x1;
	_ =	swait.ge [sflag:s14], $0x1000  }
.Ltmp0:
0x1c: {  	[sflag:s14] =	ssyncset.done $0x0;
	(pc) =	sbr.rel @!p0 .LBB2_2-.Ltmp0, $4  }
0x1d: {  	s15 =	sadd.s32 $0x5400, s15;
	[sflag:s14] =	ssyncadd.s32 $0xFFFFF000  }
0x1e: {  	[hbm4b:s15+s4] =	stream.linear.scatter [tilespmem:s11], [sflag:$0x3], $0x1000, $0x38;
	[tilespmem:$0x2100] =	vst v63  }
0x1f: {  	_ =	swait.ge [sflag:s5], $0x1000  }
0x20: {  	s16 =	sadd.s32 $0xFFFFFFFF, s16;
	[sflag:s5] =	ssyncset.done $0x0  }
.LBB2_1:
0x21: {  	p0 =	sne.s32 s16, $0x1;
	s16 =	sadd.s32 $0xFFFFFFFF, s16;
	[sflag:s5] =	ssyncadd.s32 $0xFFFFF000  }
0x22: {  	[tilespmem:s4], [sflag:$0x3] =	stream.linear.gather [hbm4b:s6+s4], $0x20, $0x38;
	[tilespmem:$0x2100] =	vst v63  }
0x23: {  	_ =	swait.ge [sflag:s5], $0x20  }
0x24: {  	[sflag:s5] =	ssyncset.done $0x0  }
0x25: {  	[sflag:s5] =	ssyncadd.s32 $0xFFFFFFE0  }
0x26: {  	[tilespmem:s8], [sflag:$0x3] =	stream.linear.gather [hbm4b:s7+s4], $0x20, $0x38;
	[tilespmem:$0x2100] =	vst v63  }
0x27: {  	_ =	swait.ge [sflag:s5], $0x20  }
0x28: {  	[sflag:s5] =	ssyncset.done $0x0  }
0x29: {  	[sflag:s5] =	ssyncadd.s32 $0xFFFFFFE0  }
0x2a: {  	[tilespmem:s10], [sflag:$0x1] =	stream.indirect.gather [hbm4b:s1+s9], $0x80, s4, s9, $0xb8;
	[tilespmem:$0x2100] =	vst v63  }
0x2b: {  	_ = 	snop  }
0x2c: {  	[tilespmem:s11], [sflag:$0x2] =	stream.indirect.gather [hbm4b:s2+s9], $0x80, s8, s9, $0xb8;
	[tilespmem:$0x2100] =	vst v63  }
0x2d: {  	_ =	swait.ge [sflag:s12], $0x1000  }
0x2e: {  	[sflag:s12] =	ssyncset.done $0x0  }
0x2f: {  	[sflag:s12] =	ssyncadd.s32 $0xFFFFF000  }
0x30: {  	[hbm4b:s13+s4] =	stream.linear.scatter [tilespmem:s10], [sflag:$0x3], $0x1000, $0x38;
	[tilespmem:$0x2100] =	vst v63  }
0x31: {  	_ =	swait.ge [sflag:s5], $0x1000  }
0x32: {  	[sflag:s5] =	ssyncset.done $0x0  }
0x33: {  	[sflag:s5] =	ssyncadd.s32 $0xFFFFF000  }
0x34: {  	_ =	swait.ge [sflag:s14], $0x1000  }
.Ltmp1:
0x35: {  	[sflag:s14] =	ssyncset.done $0x0;
	(pc) =	sbr.rel @p0 .LBB2_1-.Ltmp1, $4  }
0x36: {  	[sflag:s14] =	ssyncadd.s32 $0xFFFFF000  }
0x37: {  	[hbm4b:s15+s4] =	stream.linear.scatter [tilespmem:s11], [sflag:$0x3], $0x1000, $0x38;
	[tilespmem:$0x2100] =	vst v63  }
0x38: {  	_ =	swait.ge [sflag:s5], $0x1000  }
0x39: {  	[sflag:s5] =	ssyncset.done $0x0  }
.LBB2_2:
0x3a: {  	[sflag:s5] =	ssyncadd.s32 $0xFFFFF000  }
0x3b: {  	_ =	sfence.sel $0x180000  }
0x3c: {  	[bflag:$0x0] =	sbarrier.arrive $0xFFFF  }
0x3d: {  	p0 =	sne.s32 s0, $0x0;
	_ =	strace $0x90000047  }
0x3e: {  	s0 =	sadd.s32 @!p0 $0x100000, s3;
	[bflag:$0x2] =	sbarrier.arrive $0xFFFF  }
0x3f: {  	[sflag:s0] =	ssyncadd.tile.s32 @!p0 $0x1;
	_ =	shalt  }
.Lfunc_end2:
_tile_overlayer_lowered:
.L_overlay_start_2:
0x40: {  	(tag) =	ssettag $0x2  }
0x41: {  	s0 =	rddreg [dreg:$0x0];
	s2 =	stileid.u32  }
0x42: {  	s1 =	rddreg [dreg:$0x1];
	p0 =	sne.s32 s2, $0x0  }
0x43: {  	s3 =	rddreg [dreg:$0x2];
	[bflag:$0x3] =	sbarrier.arrive $0xFFFF;
	s2 =	simm.s32 @!p0 $0x1C03  }
0x44: {  	[timem:s3], [sflag:s2] =	dma.local @!p0 [hbm:s0], s1  }
0x45: {  	s0 =	simm.s32 @!p0 $0x3  }
0x46: {  	_ =	swait.ge @!p0 [sflag:s0], s1  }
0x47: {  	s1 =	ssub.s32 @!p0 $0x0, s1;
	[sflag:s0] =	ssyncset.done @!p0 $0x0  }
0x48: {  	[sflag:s0] =	ssyncadd.s32 @!p0 s1  }
0x49: {  	[bflag:$0x3] =	sbarrier.arrive $0xFFFF  }
0x4a: {  	_ =	shalt  }

</sc_bundles>
